<compile_context>
chip_gen: v7x
topology: tpu7x:2x2x1
jax: 0.10.2.dev20260603
libtpu: 0.0.44.dev20260713+nightly
codegen_flags: <defaults>
</compile_context>

<pallas_src>
import functools

import jax
import jax.numpy as jnp
from jax import lax
from jax.experimental import pallas as pl
from jax.experimental.pallas import tpu as pltpu
from jax.experimental.pallas import tpu_sc as plsc

N_EMBED = 2048
NUM_EXPERTS = 64
TOP_K = 8
T_TOKENS = 16384
BLOCK_R = 1024
W_COLS = 256

N_WORKERS = 32
TOK_PER_WORKER = T_TOKENS // N_WORKERS
LANES = 16


def _proj_body(x_ref, w_ref, b_ref, eps_ref, noisy_ref, skip_ref):
    z = jnp.dot(x_ref[:], w_ref[:], preferred_element_type=jnp.float32)
    z = z + b_ref[:]
    logits = z[:, :NUM_EXPERTS]
    noise_logits = z[:, NUM_EXPERTS:2 * NUM_EXPERTS]
    skip_logit = z[:, 2 * NUM_EXPERTS:2 * NUM_EXPERTS + 1]
    noisy_ref[:] = logits + eps_ref[:] * jax.nn.softplus(noise_logits)
    skip_ref[:] = jax.nn.sigmoid(skip_logit)


def _merge_desc(ka, va, kb, vb):
    kbr = lax.rev(kb, (0,))
    vbr = lax.rev(vb, (0,))
    take_a = ka >= kbr
    kk = jnp.where(take_a, ka, kbr)
    vv = jnp.where(take_a, va, vbr)
    return plsc.sort_key_val(kk, vv, descending=True)


def _sc_route_body(noisy_hbm, router_hbm, idx_hbm, nv, rv, iv):
    wid = lax.axis_index("s") * 2 + lax.axis_index("c")
    base = wid * TOK_PER_WORKER
    pltpu.sync_copy(noisy_hbm.at[pl.ds(base, TOK_PER_WORKER)], nv)

    lane = lax.broadcasted_iota(jnp.int32, (LANES,), 0)
    top8 = lane < TOP_K
    zeros16 = jnp.zeros((LANES,), jnp.float32)

    def route_one(t):
        runs = []
        for j in range(NUM_EXPERTS // LANES):
            vals = nv[t, pl.ds(j * LANES, LANES)]
            runs.append(plsc.sort_key_val(vals, lane + j * LANES,
                                          descending=True))
        k01, v01 = _merge_desc(runs[0][0], runs[0][1], runs[1][0], runs[1][1])
        k23, v23 = _merge_desc(runs[2][0], runs[2][1], runs[3][0], runs[3][1])
        kf, vf = _merge_desc(k01, v01, k23, v23)

        e = jnp.where(top8, jnp.exp(kf - jnp.max(kf)), 0.0)
        p = e / jnp.sum(e)
        for j in range(NUM_EXPERTS // LANES):
            rv[t, pl.ds(j * LANES, LANES)] = zeros16
        tvec = jnp.zeros((LANES,), jnp.int32) + t
        plsc.store_scatter(rv, [tvec, vf], p, mask=top8)
        iv[t] = vf

    def body(i, carry):
        route_one(2 * i)
        route_one(2 * i + 1)
        return carry

    lax.fori_loop(0, TOK_PER_WORKER // 2, body, 0)

    pltpu.sync_copy(rv, router_hbm.at[pl.ds(base, TOK_PER_WORKER)])
    pltpu.sync_copy(iv, idx_hbm.at[pl.ds(base, TOK_PER_WORKER)])


_sc_route = functools.partial(
    pl.kernel,
    out_type=[
        jax.ShapeDtypeStruct((T_TOKENS, NUM_EXPERTS), jnp.float32),
        jax.ShapeDtypeStruct((T_TOKENS, LANES), jnp.int32),
    ],
    mesh=plsc.VectorSubcoreMesh(core_axis_name="c", subcore_axis_name="s"),
    compiler_params=pltpu.CompilerParams(needs_layout_passes=False, use_tc_tiling_on_sc=False),
    scratch_types=[
        pltpu.VMEM((TOK_PER_WORKER, NUM_EXPERTS), jnp.float32),
        pltpu.VMEM((TOK_PER_WORKER, NUM_EXPERTS), jnp.float32),
        pltpu.VMEM((TOK_PER_WORKER, LANES), jnp.int32),
    ],
)(_sc_route_body)


@functools.partial(jax.jit, static_argnames=("interpret",))
def kernel(x, Wr, br, Wn, bn, Ws, bs, eps, interpret=False):
    w = jnp.concatenate(
        [Wr, Wn, Ws, jnp.zeros((W_COLS - 2 * NUM_EXPERTS - 1, N_EMBED), jnp.float32)],
        axis=0,
    ).T
    b = jnp.concatenate(
        [br, bn, bs, jnp.zeros((W_COLS - 2 * NUM_EXPERTS - 1,), jnp.float32)]
    )[None, :]

    proj = pl.pallas_call(
        _proj_body,
        grid=(T_TOKENS // BLOCK_R,),
        in_specs=[
            pl.BlockSpec((BLOCK_R, N_EMBED), lambda i: (i, 0)),
            pl.BlockSpec((N_EMBED, W_COLS), lambda i: (0, 0)),
            pl.BlockSpec((1, W_COLS), lambda i: (0, 0)),
            pl.BlockSpec((BLOCK_R, NUM_EXPERTS), lambda i: (i, 0)),
        ],
        out_specs=[
            pl.BlockSpec((BLOCK_R, NUM_EXPERTS), lambda i: (i, 0)),
            pl.BlockSpec((BLOCK_R, 1), lambda i: (i, 0)),
        ],
        out_shape=[
            jax.ShapeDtypeStruct((T_TOKENS, NUM_EXPERTS), jnp.float32),
            jax.ShapeDtypeStruct((T_TOKENS, 1), jnp.float32),
        ],
        interpret=interpret,
    )

    noisy, skip = proj(x, w, b, eps)
    router, idx16 = _sc_route(noisy)
    return (router, idx16[:, :TOP_K], skip)

# --- scband reference (transcript-rebuilt; emitter-appended) ---
"""Pipeline reference for scband-cross-layer-router-64141041598877 (READ-ONLY COPY).

The authoritative reference and input builder live on the scoring server;
editing this copy changes nothing except your own understanding.
"""

import jax, jax.numpy as jnp
import numpy as np

N_EMBED = 2048
NUM_EXPERTS = 64
TOP_K = 8
T = 16384  # batch 4 * seq 4096 tokens


def setup_inputs(seed: int = 0) -> dict:
    key = jax.random.key(seed)
    ks = jax.random.split(key, 8)
    x = jax.random.normal(ks[0], (T, N_EMBED), dtype=jnp.float32)
    s = 1.0 / np.sqrt(N_EMBED)
    Wr = jax.random.uniform(ks[1], (NUM_EXPERTS, N_EMBED), minval=-s, maxval=s, dtype=jnp.float32)
    br = jax.random.uniform(ks[2], (NUM_EXPERTS,), minval=-s, maxval=s, dtype=jnp.float32)
    Wn = jax.random.uniform(ks[3], (NUM_EXPERTS, N_EMBED), minval=-s, maxval=s, dtype=jnp.float32)
    bn = jax.random.uniform(ks[4], (NUM_EXPERTS,), minval=-s, maxval=s, dtype=jnp.float32)
    Ws = jax.random.uniform(ks[5], (1, N_EMBED), minval=-s, maxval=s, dtype=jnp.float32)
    bs = jax.random.uniform(ks[6], (1,), minval=-s, maxval=s, dtype=jnp.float32)
    # fixed gaussian noise sample (stands in for torch.randn_like)
    eps = jax.random.normal(ks[7], (T, NUM_EXPERTS), dtype=jnp.float32)
    return {"x": x, "Wr": Wr, "br": br, "Wn": Wn, "bn": bn, "Ws": Ws, "bs": bs, "eps": eps}


def reference(x, Wr, br, Wn, bn, Ws, bs, eps):
    logits = x @ Wr.T + br
    noise_logits = x @ Wn.T + bn
    noise = eps * jax.nn.softplus(noise_logits)
    noisy_logits = logits + noise
    top_k_logits, indices = jax.lax.top_k(noisy_logits, TOP_K)
    # scatter top-k values into a -inf background (equivalent to torch scatter since
    # the scattered values are exactly the noisy_logits at those indices)
    mask = jnp.sum(jax.nn.one_hot(indices, NUM_EXPERTS, dtype=jnp.float32), axis=-2) > 0
    sparse_logits = jnp.where(mask, noisy_logits, -jnp.inf)
    router_output = jax.nn.softmax(sparse_logits, axis=-1)
    skip_logits = x @ Ws.T + bs
    skip_prob = jax.nn.sigmoid(skip_logits)
    return (router_output, indices, skip_prob)

if __name__ == "__main__":
    import jax
    _d = setup_inputs()
    print(jax.jit(kernel)(*tuple(_d.values())))

</pallas_src>

<mosaic_0001>
#map = affine_map<(d0, d1) -> (0, 0)>
module attributes {stable_mosaic.version = 14 : i64} {
  func.func @_sc_route_body(%arg0: i32, %arg1: i32, %arg2: memref<16384x64xf32, #tpu.memory_space<hbm>>, %arg3: memref<16384x64xf32, #tpu.memory_space<hbm>>, %arg4: memref<16384x16xi32, #tpu.memory_space<hbm>>, %arg5: memref<512x64xf32, #tpu.memory_space<vmem>>, %arg6: memref<512x64xf32, #tpu.memory_space<vmem>>, %arg7: memref<512x16xi32, #tpu.memory_space<vmem>>) attributes {dimension_semantics = [#tpu.dimension_semantics<core_parallel>, #tpu.dimension_semantics<subcore_parallel>], iteration_bounds = array<i64: 2, 16>, scalar_prefetch = 0 : i64, scratch_operands = 3 : i64, tpu.core_type = #tpu.core_type<sc_vector_subcore>, window_params = [{transform_indices = #map}, {transform_indices = #map}, {transform_indices = #map}]} {
    %mul3A = arith.constant 2 : i32
    %mul3A_0 = arith.muli %arg1, %mul3A : i32
    %add3A = arith.addi %mul3A_0, %arg0 : i32
    %mul3A_1 = arith.constant 512 : i32
    %mul3A_2 = arith.muli %add3A, %mul3A_1 : i32
    "tpu.region"() ({
      %run_scoped3A = tpu.sem_alloc : memref<!tpu.dma_semaphore, #tpu.memory_space<semaphore_mem>>
      %dma_start3A = arith.constant 0 : i32
      %dma_start3A_11 = tpu.memref_slice %arg2[%mul3A_2, %dma_start3A] : memref<16384x64xf32, #tpu.memory_space<hbm>> -> memref<512x64xf32, #tpu.memory_space<hbm>>
      %dma_start3A_12 = arith.constant 0 : i32
      %dma_start3A_13 = tpu.memref_slice %arg2[%mul3A_2, %dma_start3A_12] : memref<16384x64xf32, #tpu.memory_space<hbm>> -> memref<512x64xf32, #tpu.memory_space<hbm>>
      tpu.enqueue_dma source(%dma_start3A_13 : memref<512x64xf32, #tpu.memory_space<hbm>>) target(%arg5 : memref<512x64xf32, #tpu.memory_space<vmem>>) target_semaphore(%run_scoped3A : memref<!tpu.dma_semaphore, #tpu.memory_space<semaphore_mem>>)
      %dma_wait3A = arith.constant 0 : i32
      %dma_wait3A_14 = tpu.memref_slice %arg2[%mul3A_2, %dma_wait3A] : memref<16384x64xf32, #tpu.memory_space<hbm>> -> memref<512x64xf32, #tpu.memory_space<hbm>>
      %dma_wait3A_15 = arith.constant 0 : i32
      %dma_wait3A_16 = tpu.memref_slice %arg2[%mul3A_2, %dma_wait3A_15] : memref<16384x64xf32, #tpu.memory_space<hbm>> -> memref<512x64xf32, #tpu.memory_space<hbm>>
      tpu.wait_dma2 semaphore(%run_scoped3A : memref<!tpu.dma_semaphore, #tpu.memory_space<semaphore_mem>>) src(%dma_wait3A_16 : memref<512x64xf32, #tpu.memory_space<hbm>>) dst(%arg5 : memref<512x64xf32, #tpu.memory_space<vmem>>)
      tpu.yield
    }) : () -> ()
    %iota3A = tpu.iota {dimensions = array<i32: 0>} : vector<16xi32>
    %lt3A = arith.constant 8 : i32
    %lt3A_3 = vector.broadcast %lt3A : i32 to vector<16xi32>
    %lt3A_4 = arith.cmpi slt, %iota3A, %lt3A_3 : vector<16xi32>
    %broadcast_in_dim3A = arith.constant 0.000000e+00 : f32
    %broadcast_in_dim3A_5 = vector.broadcast %broadcast_in_dim3A : f32 to vector<16xf32>
    %scan3A = arith.constant 0 : i32
    %scan3A_6 = arith.constant 0 : i32
    %scan3A_7 = arith.constant 256 : i32
    %scan3A_8 = arith.addi %scan3A_6, %scan3A_7 : i32
    %scan3A_9 = arith.constant 1 : i32
    scf.for %scan3A_11 = %scan3A_6 to %scan3A_8 step %scan3A_9  : i32 {
      %mul3A_12 = arith.constant 2 : i32
      %mul3A_13 = arith.muli %mul3A_12, %scan3A_11 : i32
      %get3A = arith.index_cast %mul3A_13 : i32 to index
      %get3A_14 = arith.constant 0 : index
      %get3A_15 = tpu.vector_load %arg5[%get3A, %get3A_14] {strides = array<i32>} : memref<512x64xf32, #tpu.memory_space<vmem>>, vector<16xf32>,
      %add3A_16 = arith.constant 0 : i32
      %add3A_17 = vector.broadcast %add3A_16 : i32 to vector<16xi32>
      %add3A_18 = arith.addi %iota3A, %add3A_17 : vector<16xi32>
      %masked_sort3A = arith.constant dense<true> : vector<16xi1>
      %masked_sort3A_19, %masked_sort3A_20, %masked_sort3A_21 = tpu.sort %get3A_15, %add3A_18 masked %masked_sort3A {descending = true} : (vector<16xf32>, vector<16xi32>, vector<16xi1>) -> (vector<16xi1>, vector<16xf32>, vector<16xi32>)
      %get3A_22 = arith.index_cast %mul3A_13 : i32 to index
      %get3A_23 = arith.constant 16 : index
      %get3A_24 = tpu.vector_load %arg5[%get3A_22, %get3A_23] {strides = array<i32>} : memref<512x64xf32, #tpu.memory_space<vmem>>, vector<16xf32>,
      %add3A_25 = arith.constant 16 : i32
      %add3A_26 = vector.broadcast %add3A_25 : i32 to vector<16xi32>
      %add3A_27 = arith.addi %iota3A, %add3A_26 : vector<16xi32>
      %masked_sort3A_28 = arith.constant dense<true> : vector<16xi1>
      %masked_sort3A_29, %masked_sort3A_30, %masked_sort3A_31 = tpu.sort %get3A_24, %add3A_27 masked %masked_sort3A_28 {descending = true} : (vector<16xf32>, vector<16xi32>, vector<16xi1>) -> (vector<16xi1>, vector<16xf32>, vector<16xi32>)
      %get3A_32 = arith.index_cast %mul3A_13 : i32 to index
      %get3A_33 = arith.constant 32 : index
      %get3A_34 = tpu.vector_load %arg5[%get3A_32, %get3A_33] {strides = array<i32>} : memref<512x64xf32, #tpu.memory_space<vmem>>, vector<16xf32>,
      %add3A_35 = arith.constant 32 : i32
      %add3A_36 = vector.broadcast %add3A_35 : i32 to vector<16xi32>
      %add3A_37 = arith.addi %iota3A, %add3A_36 : vector<16xi32>
      %masked_sort3A_38 = arith.constant dense<true> : vector<16xi1>
      %masked_sort3A_39, %masked_sort3A_40, %masked_sort3A_41 = tpu.sort %get3A_34, %add3A_37 masked %masked_sort3A_38 {descending = true} : (vector<16xf32>, vector<16xi32>, vector<16xi1>) -> (vector<16xi1>, vector<16xf32>, vector<16xi32>)
      %get3A_42 = arith.index_cast %mul3A_13 : i32 to index
      %get3A_43 = arith.constant 48 : index
      %get3A_44 = tpu.vector_load %arg5[%get3A_42, %get3A_43] {strides = array<i32>} : memref<512x64xf32, #tpu.memory_space<vmem>>, vector<16xf32>,
      %add3A_45 = arith.constant 48 : i32
      %add3A_46 = vector.broadcast %add3A_45 : i32 to vector<16xi32>
      %add3A_47 = arith.addi %iota3A, %add3A_46 : vector<16xi32>
      %masked_sort3A_48 = arith.constant dense<true> : vector<16xi1>
      %masked_sort3A_49, %masked_sort3A_50, %masked_sort3A_51 = tpu.sort %get3A_44, %add3A_47 masked %masked_sort3A_48 {descending = true} : (vector<16xf32>, vector<16xi32>, vector<16xi1>) -> (vector<16xi1>, vector<16xf32>, vector<16xi32>)
      %rev3A = arith.constant 15 : i32
      %rev3A_52 = vector.broadcast %rev3A : i32 to vector<16xi32>
      %rev3A_53 = tpu.iota {dimensions = array<i32: 0>} : vector<16xi32>
      %rev3A_54 = arith.subi %rev3A_52, %rev3A_53 : vector<16xi32>
      %rev3A_55 = tpu.dynamic_gather %masked_sort3A_30[%rev3A_54] in [0] : vector<16xf32>, vector<16xi32> -> vector<16xf32>
      %rev3A_56 = arith.constant 15 : i32
      %rev3A_57 = vector.broadcast %rev3A_56 : i32 to vector<16xi32>
      %rev3A_58 = tpu.iota {dimensions = array<i32: 0>} : vector<16xi32>
      %rev3A_59 = arith.subi %rev3A_57, %rev3A_58 : vector<16xi32>
      %rev3A_60 = tpu.dynamic_gather %masked_sort3A_31[%rev3A_59] in [0] : vector<16xi32>, vector<16xi32> -> vector<16xi32>
      %ge3A = arith.cmpf oge, %masked_sort3A_20, %rev3A_55 : vector<16xf32>
      %select_n3A = arith.select %ge3A, %masked_sort3A_20, %rev3A_55 : vector<16xi1>, vector<16xf32>
      %select_n3A_61 = arith.select %ge3A, %masked_sort3A_21, %rev3A_60 : vector<16xi1>, vector<16xi32>
      %masked_sort3A_62 = arith.constant dense<true> : vector<16xi1>
      %masked_sort3A_63, %masked_sort3A_64, %masked_sort3A_65 = tpu.sort %select_n3A, %select_n3A_61 masked %masked_sort3A_62 {descending = true} : (vector<16xf32>, vector<16xi32>, vector<16xi1>) -> (vector<16xi1>, vector<16xf32>, vector<16xi32>)
      %rev3A_66 = arith.constant 15 : i32
      %rev3A_67 = vector.broadcast %rev3A_66 : i32 to vector<16xi32>
      %rev3A_68 = tpu.iota {dimensions = array<i32: 0>} : vector<16xi32>
      %rev3A_69 = arith.subi %rev3A_67, %rev3A_68 : vector<16xi32>
      %rev3A_70 = tpu.dynamic_gather %masked_sort3A_50[%rev3A_69] in [0] : vector<16xf32>, vector<16xi32> -> vector<16xf32>
      %rev3A_71 = arith.constant 15 : i32
      %rev3A_72 = vector.broadcast %rev3A_71 : i32 to vector<16xi32>
      %rev3A_73 = tpu.iota {dimensions = array<i32: 0>} : vector<16xi32>
      %rev3A_74 = arith.subi %rev3A_72, %rev3A_73 : vector<16xi32>
      %rev3A_75 = tpu.dynamic_gather %masked_sort3A_51[%rev3A_74] in [0] : vector<16xi32>, vector<16xi32> -> vector<16xi32>
      %ge3A_76 = arith.cmpf oge, %masked_sort3A_40, %rev3A_70 : vector<16xf32>
      %select_n3A_77 = arith.select %ge3A_76, %masked_sort3A_40, %rev3A_70 : vector<16xi1>, vector<16xf32>
      %select_n3A_78 = arith.select %ge3A_76, %masked_sort3A_41, %rev3A_75 : vector<16xi1>, vector<16xi32>
      %masked_sort3A_79 = arith.constant dense<true> : vector<16xi1>
      %masked_sort3A_80, %masked_sort3A_81, %masked_sort3A_82 = tpu.sort %select_n3A_77, %select_n3A_78 masked %masked_sort3A_79 {descending = true} : (vector<16xf32>, vector<16xi32>, vector<16xi1>) -> (vector<16xi1>, vector<16xf32>, vector<16xi32>)
      %rev3A_83 = arith.constant 15 : i32
      %rev3A_84 = vector.broadcast %rev3A_83 : i32 to vector<16xi32>
      %rev3A_85 = tpu.iota {dimensions = array<i32: 0>} : vector<16xi32>
      %rev3A_86 = arith.subi %rev3A_84, %rev3A_85 : vector<16xi32>
      %rev3A_87 = tpu.dynamic_gather %masked_sort3A_81[%rev3A_86] in [0] : vector<16xf32>, vector<16xi32> -> vector<16xf32>
      %rev3A_88 = arith.constant 15 : i32
      %rev3A_89 = vector.broadcast %rev3A_88 : i32 to vector<16xi32>
      %rev3A_90 = tpu.iota {dimensions = array<i32: 0>} : vector<16xi32>
      %rev3A_91 = arith.subi %rev3A_89, %rev3A_90 : vector<16xi32>
      %rev3A_92 = tpu.dynamic_gather %masked_sort3A_82[%rev3A_91] in [0] : vector<16xi32>, vector<16xi32> -> vector<16xi32>
      %ge3A_93 = arith.cmpf oge, %masked_sort3A_64, %rev3A_87 : vector<16xf32>
      %select_n3A_94 = arith.select %ge3A_93, %masked_sort3A_64, %rev3A_87 : vector<16xi1>, vector<16xf32>
      %select_n3A_95 = arith.select %ge3A_93, %masked_sort3A_65, %rev3A_92 : vector<16xi1>, vector<16xi32>
      %masked_sort3A_96 = arith.constant dense<true> : vector<16xi1>
      %masked_sort3A_97, %masked_sort3A_98, %masked_sort3A_99 = tpu.sort %select_n3A_94, %select_n3A_95 masked %masked_sort3A_96 {descending = true} : (vector<16xf32>, vector<16xi32>, vector<16xi1>) -> (vector<16xi1>, vector<16xf32>, vector<16xi32>)
      %reduce_max3A = arith.constant true
      %reduce_max3A_100 = vector.broadcast %reduce_max3A : i1 to vector<16xi1>
      %reduce_max3A_101 = tpu.scan <max>, %masked_sort3A_98 masked %reduce_max3A_100 : vector<16xf32>, vector<16xi1> -> vector<16xf32>
      %reduce_max3A_102 = vector.extract %reduce_max3A_101[15] : f32 from vector<16xf32>
      %sub3A = vector.broadcast %reduce_max3A_102 : f32 to vector<16xf32>
      %sub3A_103 = arith.subf %masked_sort3A_98, %sub3A : vector<16xf32>
      %exp3A = math.exp %sub3A_103 : vector<16xf32>
      %jit3A = arith.constant 0.000000e+00 : f32
      %broadcast_in_dim3A_104 = vector.broadcast %jit3A : f32 to vector<16xf32>
      %select_n3A_105 = arith.select %lt3A_4, %exp3A, %broadcast_in_dim3A_104 : vector<16xi1>, vector<16xf32>
      %reduce_sum3A = arith.constant true
      %reduce_sum3A_106 = vector.broadcast %reduce_sum3A : i1 to vector<16xi1>
      %reduce_sum3A_107 = tpu.scan <sum>, %select_n3A_105 masked %reduce_sum3A_106 : vector<16xf32>, vector<16xi1> -> vector<16xf32>
      %reduce_sum3A_108 = vector.extract %reduce_sum3A_107[15] : f32 from vector<16xf32>
      %div3A = vector.broadcast %reduce_sum3A_108 : f32 to vector<16xf32>
      %div3A_109 = arith.divf %select_n3A_105, %div3A : vector<16xf32>
      %swap3A = arith.index_cast %mul3A_13 : i32 to index
      %swap3A_110 = arith.constant 0 : index
      %swap3A_111 = tpu.vector_load %arg6[%swap3A, %swap3A_110] {strides = array<i32>} : memref<512x64xf32, #tpu.memory_space<vmem>>, vector<16xf32>,
      tpu.vector_store %arg6[%swap3A, %swap3A_110], %broadcast_in_dim3A_5 {strides = array<i32>} : memref<512x64xf32, #tpu.memory_space<vmem>>, vector<16xf32>,
      %swap3A_112 = arith.index_cast %mul3A_13 : i32 to index
      %swap3A_113 = arith.constant 16 : index
      %swap3A_114 = tpu.vector_load %arg6[%swap3A_112, %swap3A_113] {strides = array<i32>} : memref<512x64xf32, #tpu.memory_space<vmem>>, vector<16xf32>,
      tpu.vector_store %arg6[%swap3A_112, %swap3A_113], %broadcast_in_dim3A_5 {strides = array<i32>} : memref<512x64xf32, #tpu.memory_space<vmem>>, vector<16xf32>,
      %swap3A_115 = arith.index_cast %mul3A_13 : i32 to index
      %swap3A_116 = arith.constant 32 : index
      %swap3A_117 = tpu.vector_load %arg6[%swap3A_115, %swap3A_116] {strides = array<i32>} : memref<512x64xf32, #tpu.memory_space<vmem>>, vector<16xf32>,
      tpu.vector_store %arg6[%swap3A_115, %swap3A_116], %broadcast_in_dim3A_5 {strides = array<i32>} : memref<512x64xf32, #tpu.memory_space<vmem>>, vector<16xf32>,
      %swap3A_118 = arith.index_cast %mul3A_13 : i32 to index
      %swap3A_119 = arith.constant 48 : index
      %swap3A_120 = tpu.vector_load %arg6[%swap3A_118, %swap3A_119] {strides = array<i32>} : memref<512x64xf32, #tpu.memory_space<vmem>>, vector<16xf32>,
      tpu.vector_store %arg6[%swap3A_118, %swap3A_119], %broadcast_in_dim3A_5 {strides = array<i32>} : memref<512x64xf32, #tpu.memory_space<vmem>>, vector<16xf32>,
      %broadcast_in_dim3A_121 = arith.constant 0 : i32
      %broadcast_in_dim3A_122 = vector.broadcast %broadcast_in_dim3A_121 : i32 to vector<16xi32>
      %add3A_123 = vector.broadcast %mul3A_13 : i32 to vector<16xi32>
      %add3A_124 = arith.addi %broadcast_in_dim3A_122, %add3A_123 : vector<16xi32>
      tpu.vector_store_idx %arg6[%add3A_124, %masked_sort3A_99], %div3A_109 masked %lt3A_4 : memref<512x64xf32, #tpu.memory_space<vmem>>[vector<16xi32>, vector<16xi32>], vector<16xf32>, vector<16xi1>
      %swap3A_125 = arith.index_cast %mul3A_13 : i32 to index
      %swap3A_126 = arith.constant 0 : index
      %swap3A_127 = tpu.vector_load %arg7[%swap3A_125, %swap3A_126] {strides = array<i32>} : memref<512x16xi32, #tpu.memory_space<vmem>>, vector<16xi32>,
      tpu.vector_store %arg7[%swap3A_125, %swap3A_126], %masked_sort3A_99 {strides = array<i32>} : memref<512x16xi32, #tpu.memory_space<vmem>>, vector<16xi32>,
      %mul3A_128 = arith.constant 2 : i32
      %mul3A_129 = arith.muli %mul3A_128, %scan3A_11 : i32
      %add3A_130 = arith.constant 1 : i32
      %add3A_131 = arith.addi %mul3A_129, %add3A_130 : i32
      %get3A_132 = arith.index_cast %add3A_131 : i32 to index
      %get3A_133 = arith.constant 0 : index
      %get3A_134 = tpu.vector_load %arg5[%get3A_132, %get3A_133] {strides = array<i32>} : memref<512x64xf32, #tpu.memory_space<vmem>>, vector<16xf32>,
      %add3A_135 = arith.constant 0 : i32
      %add3A_136 = vector.broadcast %add3A_135 : i32 to vector<16xi32>
      %add3A_137 = arith.addi %iota3A, %add3A_136 : vector<16xi32>
      %masked_sort3A_138 = arith.constant dense<true> : vector<16xi1>
      %masked_sort3A_139, %masked_sort3A_140, %masked_sort3A_141 = tpu.sort %get3A_134, %add3A_137 masked %masked_sort3A_138 {descending = true} : (vector<16xf32>, vector<16xi32>, vector<16xi1>) -> (vector<16xi1>, vector<16xf32>, vector<16xi32>)
      %get3A_142 = arith.index_cast %add3A_131 : i32 to index
      %get3A_143 = arith.constant 16 : index
      %get3A_144 = tpu.vector_load %arg5[%get3A_142, %get3A_143] {strides = array<i32>} : memref<512x64xf32, #tpu.memory_space<vmem>>, vector<16xf32>,
      %add3A_145 = arith.constant 16 : i32
      %add3A_146 = vector.broadcast %add3A_145 : i32 to vector<16xi32>
      %add3A_147 = arith.addi %iota3A, %add3A_146 : vector<16xi32>
      %masked_sort3A_148 = arith.constant dense<true> : vector<16xi1>
      %masked_sort3A_149, %masked_sort3A_150, %masked_sort3A_151 = tpu.sort %get3A_144, %add3A_147 masked %masked_sort3A_148 {descending = true} : (vector<16xf32>, vector<16xi32>, vector<16xi1>) -> (vector<16xi1>, vector<16xf32>, vector<16xi32>)
      %get3A_152 = arith.index_cast %add3A_131 : i32 to index
      %get3A_153 = arith.constant 32 : index
      %get3A_154 = tpu.vector_load %arg5[%get3A_152, %get3A_153] {strides = array<i32>} : memref<512x64xf32, #tpu.memory_space<vmem>>, vector<16xf32>,
      %add3A_155 = arith.constant 32 : i32
      %add3A_156 = vector.broadcast %add3A_155 : i32 to vector<16xi32>
      %add3A_157 = arith.addi %iota3A, %add3A_156 : vector<16xi32>
      %masked_sort3A_158 = arith.constant dense<true> : vector<16xi1>
      %masked_sort3A_159, %masked_sort3A_160, %masked_sort3A_161 = tpu.sort %get3A_154, %add3A_157 masked %masked_sort3A_158 {descending = true} : (vector<16xf32>, vector<16xi32>, vector<16xi1>) -> (vector<16xi1>, vector<16xf32>, vector<16xi32>)
      %get3A_162 = arith.index_cast %add3A_131 : i32 to index
      %get3A_163 = arith.constant 48 : index
      %get3A_164 = tpu.vector_load %arg5[%get3A_162, %get3A_163] {strides = array<i32>} : memref<512x64xf32, #tpu.memory_space<vmem>>, vector<16xf32>,
      %add3A_165 = arith.constant 48 : i32
      %add3A_166 = vector.broadcast %add3A_165 : i32 to vector<16xi32>
      %add3A_167 = arith.addi %iota3A, %add3A_166 : vector<16xi32>
      %masked_sort3A_168 = arith.constant dense<true> : vector<16xi1>
      %masked_sort3A_169, %masked_sort3A_170, %masked_sort3A_171 = tpu.sort %get3A_164, %add3A_167 masked %masked_sort3A_168 {descending = true} : (vector<16xf32>, vector<16xi32>, vector<16xi1>) -> (vector<16xi1>, vector<16xf32>, vector<16xi32>)
      %rev3A_172 = arith.constant 15 : i32
      %rev3A_173 = vector.broadcast %rev3A_172 : i32 to vector<16xi32>
      %rev3A_174 = tpu.iota {dimensions = array<i32: 0>} : vector<16xi32>
      %rev3A_175 = arith.subi %rev3A_173, %rev3A_174 : vector<16xi32>
      %rev3A_176 = tpu.dynamic_gather %masked_sort3A_150[%rev3A_175] in [0] : vector<16xf32>, vector<16xi32> -> vector<16xf32>
      %rev3A_177 = arith.constant 15 : i32
      %rev3A_178 = vector.broadcast %rev3A_177 : i32 to vector<16xi32>
      %rev3A_179 = tpu.iota {dimensions = array<i32: 0>} : vector<16xi32>
      %rev3A_180 = arith.subi %rev3A_178, %rev3A_179 : vector<16xi32>
      %rev3A_181 = tpu.dynamic_gather %masked_sort3A_151[%rev3A_180] in [0] : vector<16xi32>, vector<16xi32> -> vector<16xi32>
      %ge3A_182 = arith.cmpf oge, %masked_sort3A_140, %rev3A_176 : vector<16xf32>
      %select_n3A_183 = arith.select %ge3A_182, %masked_sort3A_140, %rev3A_176 : vector<16xi1>, vector<16xf32>
      %select_n3A_184 = arith.select %ge3A_182, %masked_sort3A_141, %rev3A_181 : vector<16xi1>, vector<16xi32>
      %masked_sort3A_185 = arith.constant dense<true> : vector<16xi1>
      %masked_sort3A_186, %masked_sort3A_187, %masked_sort3A_188 = tpu.sort %select_n3A_183, %select_n3A_184 masked %masked_sort3A_185 {descending = true} : (vector<16xf32>, vector<16xi32>, vector<16xi1>) -> (vector<16xi1>, vector<16xf32>, vector<16xi32>)
      %rev3A_189 = arith.constant 15 : i32
      %rev3A_190 = vector.broadcast %rev3A_189 : i32 to vector<16xi32>
      %rev3A_191 = tpu.iota {dimensions = array<i32: 0>} : vector<16xi32>
      %rev3A_192 = arith.subi %rev3A_190, %rev3A_191 : vector<16xi32>
      %rev3A_193 = tpu.dynamic_gather %masked_sort3A_170[%rev3A_192] in [0] : vector<16xf32>, vector<16xi32> -> vector<16xf32>
      %rev3A_194 = arith.constant 15 : i32
      %rev3A_195 = vector.broadcast %rev3A_194 : i32 to vector<16xi32>
      %rev3A_196 = tpu.iota {dimensions = array<i32: 0>} : vector<16xi32>
      %rev3A_197 = arith.subi %rev3A_195, %rev3A_196 : vector<16xi32>
      %rev3A_198 = tpu.dynamic_gather %masked_sort3A_171[%rev3A_197] in [0] : vector<16xi32>, vector<16xi32> -> vector<16xi32>
      %ge3A_199 = arith.cmpf oge, %masked_sort3A_160, %rev3A_193 : vector<16xf32>
      %select_n3A_200 = arith.select %ge3A_199, %masked_sort3A_160, %rev3A_193 : vector<16xi1>, vector<16xf32>
      %select_n3A_201 = arith.select %ge3A_199, %masked_sort3A_161, %rev3A_198 : vector<16xi1>, vector<16xi32>
      %masked_sort3A_202 = arith.constant dense<true> : vector<16xi1>
      %masked_sort3A_203, %masked_sort3A_204, %masked_sort3A_205 = tpu.sort %select_n3A_200, %select_n3A_201 masked %masked_sort3A_202 {descending = true} : (vector<16xf32>, vector<16xi32>, vector<16xi1>) -> (vector<16xi1>, vector<16xf32>, vector<16xi32>)
      %rev3A_206 = arith.constant 15 : i32
      %rev3A_207 = vector.broadcast %rev3A_206 : i32 to vector<16xi32>
      %rev3A_208 = tpu.iota {dimensions = array<i32: 0>} : vector<16xi32>
      %rev3A_209 = arith.subi %rev3A_207, %rev3A_208 : vector<16xi32>
      %rev3A_210 = tpu.dynamic_gather %masked_sort3A_204[%rev3A_209] in [0] : vector<16xf32>, vector<16xi32> -> vector<16xf32>
      %rev3A_211 = arith.constant 15 : i32
      %rev3A_212 = vector.broadcast %rev3A_211 : i32 to vector<16xi32>
      %rev3A_213 = tpu.iota {dimensions = array<i32: 0>} : vector<16xi32>
      %rev3A_214 = arith.subi %rev3A_212, %rev3A_213 : vector<16xi32>
      %rev3A_215 = tpu.dynamic_gather %masked_sort3A_205[%rev3A_214] in [0] : vector<16xi32>, vector<16xi32> -> vector<16xi32>
      %ge3A_216 = arith.cmpf oge, %masked_sort3A_187, %rev3A_210 : vector<16xf32>
      %select_n3A_217 = arith.select %ge3A_216, %masked_sort3A_187, %rev3A_210 : vector<16xi1>, vector<16xf32>
      %select_n3A_218 = arith.select %ge3A_216, %masked_sort3A_188, %rev3A_215 : vector<16xi1>, vector<16xi32>
      %masked_sort3A_219 = arith.constant dense<true> : vector<16xi1>
      %masked_sort3A_220, %masked_sort3A_221, %masked_sort3A_222 = tpu.sort %select_n3A_217, %select_n3A_218 masked %masked_sort3A_219 {descending = true} : (vector<16xf32>, vector<16xi32>, vector<16xi1>) -> (vector<16xi1>, vector<16xf32>, vector<16xi32>)
      %reduce_max3A_223 = arith.constant true
      %reduce_max3A_224 = vector.broadcast %reduce_max3A_223 : i1 to vector<16xi1>
      %reduce_max3A_225 = tpu.scan <max>, %masked_sort3A_221 masked %reduce_max3A_224 : vector<16xf32>, vector<16xi1> -> vector<16xf32>
      %reduce_max3A_226 = vector.extract %reduce_max3A_225[15] : f32 from vector<16xf32>
      %sub3A_227 = vector.broadcast %reduce_max3A_226 : f32 to vector<16xf32>
      %sub3A_228 = arith.subf %masked_sort3A_221, %sub3A_227 : vector<16xf32>
      %exp3A_229 = math.exp %sub3A_228 : vector<16xf32>
      %jit3A_230 = arith.constant 0.000000e+00 : f32
      %broadcast_in_dim3A_231 = vector.broadcast %jit3A_230 : f32 to vector<16xf32>
      %select_n3A_232 = arith.select %lt3A_4, %exp3A_229, %broadcast_in_dim3A_231 : vector<16xi1>, vector<16xf32>
      %reduce_sum3A_233 = arith.constant true
      %reduce_sum3A_234 = vector.broadcast %reduce_sum3A_233 : i1 to vector<16xi1>
      %reduce_sum3A_235 = tpu.scan <sum>, %select_n3A_232 masked %reduce_sum3A_234 : vector<16xf32>, vector<16xi1> -> vector<16xf32>
      %reduce_sum3A_236 = vector.extract %reduce_sum3A_235[15] : f32 from vector<16xf32>
      %div3A_237 = vector.broadcast %reduce_sum3A_236 : f32 to vector<16xf32>
      %div3A_238 = arith.divf %select_n3A_232, %div3A_237 : vector<16xf32>
      %swap3A_239 = arith.index_cast %add3A_131 : i32 to index
      %swap3A_240 = arith.constant 0 : index
      %swap3A_241 = tpu.vector_load %arg6[%swap3A_239, %swap3A_240] {strides = array<i32>} : memref<512x64xf32, #tpu.memory_space<vmem>>, vector<16xf32>,
      tpu.vector_store %arg6[%swap3A_239, %swap3A_240], %broadcast_in_dim3A_5 {strides = array<i32>} : memref<512x64xf32, #tpu.memory_space<vmem>>, vector<16xf32>,
      %swap3A_242 = arith.index_cast %add3A_131 : i32 to index
      %swap3A_243 = arith.constant 16 : index
      %swap3A_244 = tpu.vector_load %arg6[%swap3A_242, %swap3A_243] {strides = array<i32>} : memref<512x64xf32, #tpu.memory_space<vmem>>, vector<16xf32>,
      tpu.vector_store %arg6[%swap3A_242, %swap3A_243], %broadcast_in_dim3A_5 {strides = array<i32>} : memref<512x64xf32, #tpu.memory_space<vmem>>, vector<16xf32>,
      %swap3A_245 = arith.index_cast %add3A_131 : i32 to index
      %swap3A_246 = arith.constant 32 : index
      %swap3A_247 = tpu.vector_load %arg6[%swap3A_245, %swap3A_246] {strides = array<i32>} : memref<512x64xf32, #tpu.memory_space<vmem>>, vector<16xf32>,
      tpu.vector_store %arg6[%swap3A_245, %swap3A_246], %broadcast_in_dim3A_5 {strides = array<i32>} : memref<512x64xf32, #tpu.memory_space<vmem>>, vector<16xf32>,
      %swap3A_248 = arith.index_cast %add3A_131 : i32 to index
      %swap3A_249 = arith.constant 48 : index
      %swap3A_250 = tpu.vector_load %arg6[%swap3A_248, %swap3A_249] {strides = array<i32>} : memref<512x64xf32, #tpu.memory_space<vmem>>, vector<16xf32>,
      tpu.vector_store %arg6[%swap3A_248, %swap3A_249], %broadcast_in_dim3A_5 {strides = array<i32>} : memref<512x64xf32, #tpu.memory_space<vmem>>, vector<16xf32>,
      %broadcast_in_dim3A_251 = arith.constant 0 : i32
      %broadcast_in_dim3A_252 = vector.broadcast %broadcast_in_dim3A_251 : i32 to vector<16xi32>
      %add3A_253 = vector.broadcast %add3A_131 : i32 to vector<16xi32>
      %add3A_254 = arith.addi %broadcast_in_dim3A_252, %add3A_253 : vector<16xi32>
      tpu.vector_store_idx %arg6[%add3A_254, %masked_sort3A_222], %div3A_238 masked %lt3A_4 : memref<512x64xf32, #tpu.memory_space<vmem>>[vector<16xi32>, vector<16xi32>], vector<16xf32>, vector<16xi1>
      %swap3A_255 = arith.index_cast %add3A_131 : i32 to index
      %swap3A_256 = arith.constant 0 : index
      %swap3A_257 = tpu.vector_load %arg7[%swap3A_255, %swap3A_256] {strides = array<i32>} : memref<512x16xi32, #tpu.memory_space<vmem>>, vector<16xi32>,
      tpu.vector_store %arg7[%swap3A_255, %swap3A_256], %masked_sort3A_222 {strides = array<i32>} : memref<512x16xi32, #tpu.memory_space<vmem>>, vector<16xi32>,
    }
    %scan3A_10 = arith.constant 256 : i32
    "tpu.region"() ({
      %run_scoped3A = tpu.sem_alloc : memref<!tpu.dma_semaphore, #tpu.memory_space<semaphore_mem>>
      %dma_start3A = arith.constant 0 : i32
      %dma_start3A_11 = tpu.memref_slice %arg3[%mul3A_2, %dma_start3A] : memref<16384x64xf32, #tpu.memory_space<hbm>> -> memref<512x64xf32, #tpu.memory_space<hbm>>
      %dma_start3A_12 = arith.constant 0 : i32
      %dma_start3A_13 = tpu.memref_slice %arg3[%mul3A_2, %dma_start3A_12] : memref<16384x64xf32, #tpu.memory_space<hbm>> -> memref<512x64xf32, #tpu.memory_space<hbm>>
      tpu.enqueue_dma source(%arg6 : memref<512x64xf32, #tpu.memory_space<vmem>>) target(%dma_start3A_13 : memref<512x64xf32, #tpu.memory_space<hbm>>) target_semaphore(%run_scoped3A : memref<!tpu.dma_semaphore, #tpu.memory_space<semaphore_mem>>)
      %dma_wait3A = arith.constant 0 : i32
      %dma_wait3A_14 = tpu.memref_slice %arg3[%mul3A_2, %dma_wait3A] : memref<16384x64xf32, #tpu.memory_space<hbm>> -> memref<512x64xf32, #tpu.memory_space<hbm>>
      %dma_wait3A_15 = arith.constant 0 : i32
      %dma_wait3A_16 = tpu.memref_slice %arg3[%mul3A_2, %dma_wait3A_15] : memref<16384x64xf32, #tpu.memory_space<hbm>> -> memref<512x64xf32, #tpu.memory_space<hbm>>
      tpu.wait_dma2 semaphore(%run_scoped3A : memref<!tpu.dma_semaphore, #tpu.memory_space<semaphore_mem>>) src(%arg6 : memref<512x64xf32, #tpu.memory_space<vmem>>) dst(%dma_wait3A_16 : memref<512x64xf32, #tpu.memory_space<hbm>>)
      tpu.yield
    }) : () -> ()
    "tpu.region"() ({
      %run_scoped3A = tpu.sem_alloc : memref<!tpu.dma_semaphore, #tpu.memory_space<semaphore_mem>>
      %dma_start3A = arith.constant 0 : i32
      %dma_start3A_11 = tpu.memref_slice %arg4[%mul3A_2, %dma_start3A] : memref<16384x16xi32, #tpu.memory_space<hbm>> -> memref<512x16xi32, #tpu.memory_space<hbm>>
      %dma_start3A_12 = arith.constant 0 : i32
      %dma_start3A_13 = tpu.memref_slice %arg4[%mul3A_2, %dma_start3A_12] : memref<16384x16xi32, #tpu.memory_space<hbm>> -> memref<512x16xi32, #tpu.memory_space<hbm>>
      tpu.enqueue_dma source(%arg7 : memref<512x16xi32, #tpu.memory_space<vmem>>) target(%dma_start3A_13 : memref<512x16xi32, #tpu.memory_space<hbm>>) target_semaphore(%run_scoped3A : memref<!tpu.dma_semaphore, #tpu.memory_space<semaphore_mem>>)
      %dma_wait3A = arith.constant 0 : i32
      %dma_wait3A_14 = tpu.memref_slice %arg4[%mul3A_2, %dma_wait3A] : memref<16384x16xi32, #tpu.memory_space<hbm>> -> memref<512x16xi32, #tpu.memory_space<hbm>>
      %dma_wait3A_15 = arith.constant 0 : i32
      %dma_wait3A_16 = tpu.memref_slice %arg4[%mul3A_2, %dma_wait3A_15] : memref<16384x16xi32, #tpu.memory_space<hbm>> -> memref<512x16xi32, #tpu.memory_space<hbm>>
      tpu.wait_dma2 semaphore(%run_scoped3A : memref<!tpu.dma_semaphore, #tpu.memory_space<semaphore_mem>>) src(%arg7 : memref<512x16xi32, #tpu.memory_space<vmem>>) dst(%dma_wait3A_16 : memref<512x16xi32, #tpu.memory_space<hbm>>)
      tpu.yield
    }) : () -> ()
    return
  }
}

module attributes {stable_mosaic.version = 14 : i64} {
  func.func @_proj_body(%arg0: i32, %arg1: memref<1024x2048xf32, #tpu.memory_space<vmem>>, %arg2: memref<2048x256xf32, #tpu.memory_space<vmem>>, %arg3: memref<1x256xf32, #tpu.memory_space<vmem>>, %arg4: memref<1024x64xf32, #tpu.memory_space<vmem>>, %arg5: memref<1024x64xf32, #tpu.memory_space<vmem>>, %arg6: memref<1024x1xf32, #tpu.memory_space<vmem>>) attributes {dimension_semantics = [#tpu.dimension_semantics<arbitrary>], iteration_bounds = array<i64: 16>, scalar_prefetch = 0 : i64, scratch_operands = 0 : i64, tpu.core_type = #tpu.core_type<tc>, window_params = [{transform_indices = @transform_0, window_bounds = array<i64: 1024, 2048>}, {pipeline_mode = #tpu.pipeline_mode<synchronous>, transform_indices = @transform_1, window_bounds = array<i64: 2048, 256>}, {pipeline_mode = #tpu.pipeline_mode<synchronous>, transform_indices = @transform_2, window_bounds = array<i64: 1, 256>}, {transform_indices = @transform_3, window_bounds = array<i64: 1024, 64>}, {transform_indices = @transform_4, window_bounds = array<i64: 1024, 64>}, {transform_indices = @transform_5, window_bounds = array<i64: 1024, 1>}]} {
    %get3A = arith.constant 0 : index
    %get3A_0 = arith.constant 0 : index
    %get3A_1 = vector.load %arg1[%get3A, %get3A_0] : memref<1024x2048xf32, #tpu.memory_space<vmem>>, vector<1024x2048xf32>
    %get3A_2 = arith.constant 0 : index
    %get3A_3 = arith.constant 0 : index
    %get3A_4 = vector.load %arg2[%get3A_2, %get3A_3] : memref<2048x256xf32, #tpu.memory_space<vmem>>, vector<2048x256xf32>
    %dot_general3A = arith.constant dense<0.000000e+00> : vector<1024x256xf32>
    %dot_general3A_5 = tpu.matmul %get3A_1, %get3A_4, %dot_general3A {dimension_numbers = #tpu.dot_dimension_numbers<[1], [0], [0], [1], [0, 0, 1, 1], [], []>, transpose_lhs_hint = false} : vector<1024x2048xf32>, vector<2048x256xf32>, vector<1024x256xf32> -> vector<1024x256xf32>
    %get3A_6 = arith.constant 0 : index
    %get3A_7 = arith.constant 0 : index
    %get3A_8 = vector.load %arg3[%get3A_6, %get3A_7] : memref<1x256xf32, #tpu.memory_space<vmem>>, vector<1x256xf32>
    %add3A = vector.broadcast %get3A_8 : vector<1x256xf32> to vector<1024x256xf32>
    %add3A_9 = arith.addf %dot_general3A_5, %add3A : vector<1024x256xf32>
    %slice3A = vector.extract_strided_slice %add3A_9 {offsets = [0, 0], sizes = [1024, 64], strides = [1, 1]} : vector<1024x256xf32> to vector<1024x64xf32>
    %slice3A_10 = vector.extract_strided_slice %add3A_9 {offsets = [0, 64], sizes = [1024, 64], strides = [1, 1]} : vector<1024x256xf32> to vector<1024x64xf32>
    %slice3A_11 = vector.extract_strided_slice %add3A_9 {offsets = [0, 128], sizes = [1024, 1], strides = [1, 1]} : vector<1024x256xf32> to vector<1024x1xf32>
    %get3A_12 = arith.constant 0 : index
    %get3A_13 = arith.constant 0 : index
    %get3A_14 = vector.load %arg4[%get3A_12, %get3A_13] : memref<1024x64xf32, #tpu.memory_space<vmem>>, vector<1024x64xf32>
    %custom_jvp_call3A = arith.constant 0.000000e+00 : f32
    %max3A = vector.broadcast %custom_jvp_call3A : f32 to vector<1024x64xf32>
    %max3A_15 = arith.maximumf %slice3A_10, %max3A : vector<1024x64xf32>
    %sub3A = vector.broadcast %custom_jvp_call3A : f32 to vector<1024x64xf32>
    %sub3A_16 = arith.subf %slice3A_10, %sub3A : vector<1024x64xf32>
    %ne3A = arith.cmpf one, %sub3A_16, %sub3A_16 : vector<1024x64xf32>
    %add3A_17 = vector.broadcast %custom_jvp_call3A : f32 to vector<1024x64xf32>
    %add3A_18 = arith.addf %slice3A_10, %add3A_17 : vector<1024x64xf32>
    %abs3A = math.absf %sub3A_16 : vector<1024x64xf32>
    %neg3A = arith.constant 0.000000e+00 : f32
    %neg3A_19 = vector.broadcast %neg3A : f32 to vector<1024x64xf32>
    %neg3A_20 = arith.subf %neg3A_19, %abs3A : vector<1024x64xf32>
    %exp3A = math.exp %neg3A_20 : vector<1024x64xf32>
    %log1p3A = math.log1p %exp3A : vector<1024x64xf32>
    %add3A_21 = arith.addf %max3A_15, %log1p3A : vector<1024x64xf32>
    %select_n3A = arith.select %ne3A, %add3A_18, %add3A_21 : vector<1024x64xi1>, vector<1024x64xf32>
    %mul3A = arith.mulf %get3A_14, %select_n3A : vector<1024x64xf32>
    %add3A_22 = arith.addf %slice3A, %mul3A : vector<1024x64xf32>
    %swap3A = arith.constant 0 : index
    %swap3A_23 = arith.constant 0 : index
    %swap3A_24 = vector.load %arg5[%swap3A, %swap3A_23] : memref<1024x64xf32, #tpu.memory_space<vmem>>, vector<1024x64xf32>
    tpu.vector_store %arg5[%swap3A, %swap3A_23], %add3A_22 {strides = array<i32>} : memref<1024x64xf32, #tpu.memory_space<vmem>>, vector<1024x64xf32>,
    %logistic3A = arith.negf %slice3A_11 : vector<1024x1xf32>
    %logistic3A_25 = math.exp %logistic3A : vector<1024x1xf32>
    %logistic3A_26 = arith.constant 1.000000e+00 : f32
    %logistic3A_27 = vector.broadcast %logistic3A_26 : f32 to vector<1024x1xf32>
    %logistic3A_28 = arith.addf %logistic3A_27, %logistic3A_25 : vector<1024x1xf32>
    %logistic3A_29 = arith.divf %logistic3A_27, %logistic3A_28 : vector<1024x1xf32>
    %swap3A_30 = arith.constant 0 : index
    %swap3A_31 = arith.constant 0 : index
    %swap3A_32 = vector.load %arg6[%swap3A_30, %swap3A_31] : memref<1024x1xf32, #tpu.memory_space<vmem>>, vector<1024x1xf32>
    tpu.vector_store %arg6[%swap3A_30, %swap3A_31], %logistic3A_29 {strides = array<i32>} : memref<1024x1xf32, #tpu.memory_space<vmem>>, vector<1024x1xf32>,
    return
  }
  func.func @transform_0(%arg0: i32) -> (i32, i32) {
    %c0_i32 = arith.constant 0 : i32
    %c0_i32_0 = arith.constant 0 : i32
    return %arg0, %c0_i32 : i32, i32
  }
  func.func @transform_1(%arg0: i32) -> (i32, i32) {
    %c0_i32 = arith.constant 0 : i32
    %c0_i32_0 = arith.constant 0 : i32
    %c0_i32_1 = arith.constant 0 : i32
    return %c0_i32, %c0_i32_0 : i32, i32
  }
  func.func @transform_2(%arg0: i32) -> (i32, i32) {
    %c0_i32 = arith.constant 0 : i32
    %c0_i32_0 = arith.constant 0 : i32
    %c0_i32_1 = arith.constant 0 : i32
    return %c0_i32, %c0_i32_0 : i32, i32
  }
  func.func @transform_3(%arg0: i32) -> (i32, i32) {
    %c0_i32 = arith.constant 0 : i32
    %c0_i32_0 = arith.constant 0 : i32
    return %arg0, %c0_i32 : i32, i32
  }
  func.func @transform_4(%arg0: i32) -> (i32, i32) {
    %c0_i32 = arith.constant 0 : i32
    %c0_i32_0 = arith.constant 0 : i32
    return %arg0, %c0_i32 : i32, i32
  }
  func.func @transform_5(%arg0: i32) -> (i32, i32) {
    %c0_i32 = arith.constant 0 : i32
    %c0_i32_0 = arith.constant 0 : i32
    return %arg0, %c0_i32 : i32, i32
  }
}

</mosaic_0001>

<sc_bundles>
// kernel: kernel.4.cloned.1.call-start
scs
__scs_entry_jumppad:
0x0: {  	(pc) =	sbr.rel $0x88, $3  }
0x1: {  	(tag) =	ssettag $0x0;
	lr =	simm.s32 $0x1  }
0x2: {  	[smem:$0x3F99] =	sst lr;
	_ =	strace $0xD0000000  }
0x3: {  	_ = 	snop  }
0x4: {  	_ = 	snop  }
0x5: {  	_ = 	snop  }
0x6: {  	_ = 	snop  }
0x7: {  	_ = 	snop  }
__scs_overlays_trampoline_lowered:
0x8: {  	[smem:$0x3FA8] =	sst s0  }
0x9: {  	[smem:$0x3FA9] =	sst s1  }
0xa: {  	[smem:$0x3FAA] =	sst s2  }
0xb: {  	[smem:$0x3FAB] =	sst s3  }
0xc: {  	[smem:$0x3FAC] =	sst s4  }
0xd: {  	[smem:$0x3FAD] =	sst s5  }
0xe: {  	[smem:$0x3FAE] =	sst s6  }
0xf: {  	[smem:$0x3FAF] =	sst s7  }
0x10: {  	[smem:$0x3FB0] =	sst s8  }
0x11: {  	[smem:$0x3FB1] =	sst s9;
	s0 =	simm.s32 @!p0 $0x0  }
0x12: {  	s1 =	sld [smem:$0x3F97];
	s0 =	simm.s32 @p0 $0x1  }
0x13: {  	[smem:$0x3FB2] =	sst s0;
	s0 =	simm.s32 @!p1 $0x0  }
0x14: {  	s2 =	sld [smem:$0x3F96];
	s0 =	simm.s32 @p1 $0x1  }
0x15: {  	[smem:$0x3FB3] =	sst s0;
	s0 =	simm.s32 @!p2 $0x0  }
0x16: {  	s3 =	sld [smem:$0x3FDB];
	s0 =	simm.s32 @p2 $0x1  }
0x17: {  	s4 =	simm.s32 $0x1BF5;
	[smem:$0x3FB5] =	sst s0  }
0x18: {  	s0 =	sld [smem:$0x3F98];
	_ =	swait.ge [sflag:s4], $0x0  }
0x19: {  	s7 =	sld [smem:$0x3F99]  }
0x1a: {  	s8 =	sadd.s32 $0xFFFFE003, lr  }
0x1b: {  	s9 =	sadd.s32 $0xFFFFFEF7, lr;
	s5 =	simm.s32 $0xFFFFFFFF;
	p2 =	slt.u32 s8, $0xFFFFF086  }
0x1c: {  	p1 =	slt.u32 s9, $0xF7A;
	s5 =	simm.s32 @!p2 $0x0  }
0x1d: {  	s5 =	simm.s32 @p1 $0x1;
	p0 =	seq.s32 s7, s2  }
0x1e: {  	s7 =	smul.u32 @!p0 $0xF7A, s2;
	p2 =	seq.s32 @!p0 s5, $0x0  }
0x1f: {  	s9 =	smul.u32 $0xF7A, s1;
	s8 =	simm.s32 @!p0 $0x1BF5;
	p2 =	por !p2, p0  }
0x20: {  	[sflag:s8] =	ssyncset.s32 @!p0 $0xFFFFF086;
	s6 =	sadd.s32 @!p0 s3, s7;
	s7 =	simm.s32 @!p0 $0x108  }
0x21: {  	s3 =	sadd.s32 s3, s9;
	s6 =	sadd.s32 @!p0 $0x88, s6;
	s7 =	simm.s32 @p2 $0x1082  }
0x22: {  	[simem:s7], [sflag:s8] =	dma.local @!p0 [hbm:s6], $0xF7A  }
0x23: {  	s9 =	sor.u32 $0xD0000000, s2;
	s6 =	simm.s32 $0x108;
	_ =	swait.ge @!p0 [sflag:s8], $0x0  }
0x24: {  	s3 =	sadd.s32 $0x88, s3;
	s6 =	simm.s32 @!p1 $0x1082;
	[sflag:s4] =	ssyncset.s32 $0xFFFFF086  }
0x25: {  	[simem:s6], [sflag:s4] =	dma.local [hbm:s3], $0xF7A  }
0x26: {  	[smem:$0x3F99] =	sst s1;
	(tag) =	ssettag s2;
	_ =	strace s9  }
0x27: {  	s1 =	sld [smem:$0x3FA9]  }
0x28: {  	s2 =	sld [smem:$0x3FAA]  }
0x29: {  	s4 =	sld [smem:$0x3FAC]  }
0x2a: {  	p0 =	seq.s32 s5, $0x0;
	s5 =	sld [smem:$0x3FAD]  }
0x2b: {  	s6 =	sld [smem:$0x3FAE]  }
0x2c: {  	s7 =	sld [smem:$0x3FAF]  }
0x2d: {  	s3 =	simm.s32 $0x108;
	s8 =	sld [smem:$0x3FB0]  }
0x2e: {  	s3 =	simm.s32 @!p0 $0x1082;
	s9 =	sld [smem:$0x3FB1]  }
0x2f: {  	lr =	sadd.s32 s0, s3;
	s0 =	sld [smem:$0x3FA8]  }
0x30: {  	s3 =	sld [smem:$0x3FAB]  }
0x31: {  	[smem:$0x3FB4] =	sst s10  }
0x32: {  	s10 =	sld [smem:$0x3FB2];
	_ =	sdelay $0x3  }
0x33: {  	p0 =	seq.s32 s10, $0x1;
	s10 =	sld [smem:$0x3FB4];
	_ =	sdelay $0x3  }
0x34: {  	[smem:$0x3FB4] =	sst s10  }
0x35: {  	s10 =	sld [smem:$0x3FB3];
	_ =	sdelay $0x3  }
0x36: {  	p1 =	seq.s32 s10, $0x1;
	s10 =	sld [smem:$0x3FB4];
	_ =	sdelay $0x3  }
0x37: {  	[smem:$0x3FB4] =	sst s10  }
0x38: {  	s10 =	sld [smem:$0x3FB5]  }
0x39: {  	_ = 	snop;
	(pc) =	sbr.ind lr, $3  }
0x3a: {  	_ = 	snop  }
0x3b: {  	_ = 	snop  }
0x3c: {  	p2 =	seq.s32 s10, $0x1;
	s10 =	sld [smem:$0x3FB4]  }
0x3d: {  	_ =	shalt  }
0x3e: {  	_ =	shalt  }
0x3f: {  	_ =	shalt  }
0x40: {  	_ =	shalt  }
0x41: {  	_ =	shalt  }
0x42: {  	_ =	shalt  }
0x43: {  	_ =	shalt  }
0x44: {  	_ =	shalt  }
0x45: {  	_ =	shalt  }
0x46: {  	_ =	shalt  }
0x47: {  	_ =	shalt  }
0x48: {  	_ =	shalt  }
0x49: {  	_ =	shalt  }
0x4a: {  	_ =	shalt  }
0x4b: {  	_ =	shalt  }
0x4c: {  	_ =	shalt  }
0x4d: {  	_ =	shalt  }
0x4e: {  	_ =	shalt  }
0x4f: {  	_ =	shalt  }
0x50: {  	_ =	shalt  }
0x51: {  	_ =	shalt  }
0x52: {  	_ =	shalt  }
0x53: {  	_ =	shalt  }
0x54: {  	_ =	shalt  }
0x55: {  	_ =	shalt  }
0x56: {  	_ =	shalt  }
0x57: {  	_ =	shalt  }
0x58: {  	_ =	shalt  }
0x59: {  	_ =	shalt  }
0x5a: {  	_ =	shalt  }
0x5b: {  	_ =	shalt  }
0x5c: {  	_ =	shalt  }
0x5d: {  	_ =	shalt  }
0x5e: {  	_ =	shalt  }
0x5f: {  	_ =	shalt  }
0x60: {  	_ =	shalt  }
0x61: {  	_ =	shalt  }
0x62: {  	_ =	shalt  }
0x63: {  	_ =	shalt  }
0x64: {  	_ =	shalt  }
0x65: {  	_ =	shalt  }
0x66: {  	_ =	shalt  }
0x67: {  	_ =	shalt  }
0x68: {  	_ =	shalt  }
0x69: {  	_ =	shalt  }
0x6a: {  	_ =	shalt  }
0x6b: {  	_ =	shalt  }
0x6c: {  	_ =	shalt  }
0x6d: {  	_ =	shalt  }
0x6e: {  	_ =	shalt  }
0x6f: {  	_ =	shalt  }
0x70: {  	_ =	shalt  }
0x71: {  	_ =	shalt  }
0x72: {  	_ =	shalt  }
0x73: {  	_ =	shalt  }
0x74: {  	_ =	shalt  }
0x75: {  	_ =	shalt  }
0x76: {  	_ =	shalt  }
0x77: {  	_ =	shalt  }
0x78: {  	_ =	shalt  }
0x79: {  	_ =	shalt  }
0x7a: {  	_ =	shalt  }
0x7b: {  	_ =	shalt  }
0x7c: {  	_ =	shalt  }
0x7d: {  	_ =	shalt  }
0x7e: {  	_ =	shalt  }
0x7f: {  	_ =	shalt  }
0x80: {  	_ =	shalt  }
0x81: {  	_ =	shalt  }
0x82: {  	_ =	shalt  }
0x83: {  	_ =	shalt  }
0x84: {  	_ =	shalt  }
0x85: {  	_ =	shalt  }
0x86: {  	_ =	shalt  }
0x87: {  	_ =	shalt  }
.Lfunc_end0:
.L_simem_size_0:
called_computation_lowered:
.L_overlay_start_0:
0x88: {  	s2 =	sld [smem:$0x3FD9]  }
0x89: {  	s3 =	sld [smem:$0x3FFE];
	_ =	sdelay $0x1  }
0x8a: {  	s1 =	srdreg.scid  }
0x8b: {  	s0 =	sand.u32 $0x1, s1  }
0x8c: {  	s14 =	sshll.u32 s0, $0xA;
	s2 =	sadd.s32 s3, s2  }
0x8d: {  	s2 =	sadd.s32 s2, s14  }
0x8e: {  	[smem:$0x3FC0] =	sst s2  }
0x8f: {  	_ = 	snop  }
0x90: {  	s2 =	sld [smem:$0x3FD0];
	_ =	sdelay $0x2  }
0x91: {  	s15 =	simm.s32 $0xA;
	s4 =	simm.s32 $0x10  }
0x92: {  	[smem:s4], [sflag:s15] =	dma.local [hbm:s2], $0x1  }
0x93: {  	_ =	swait.eq [sflag:s15], $0x1  }
0x94: {  	[sflag:s15] =	ssyncset.done $0x0  }
0x95: {  	[sflag:s15] =	ssyncadd.s32 $0xFFFFFFFF  }
0x96: {  	s16 =	sld [smem:$0x10];
	(tm) =	ssettm $0x1  }
0x97: {  	s17 =	sld [smem:$0x3FFB];
	_ =	sdelay $0x3  }
0x98: {  	_ =	strace s17  }
0x99: {  	s3 =	sld [smem:$0x3FFC];
	_ =	sdelay $0x3  }
0x9a: {  	_ =	strace s3  }
0x9b: {  	s3 =	sld [smem:$0x3FFD];
	_ =	sdelay $0x3  }
0x9c: {  	_ =	strace s3  }
0x9d: {  	_ =	strace $0x8FFFFFFF  }
0x9e: {  	s18 =	sld [smem:$0x3FDB];
	_ =	sdelay $0x1  }
0x9f: {  	s19 =	simm.s32 $_scs_section_size  }
0xa0: {  	s5 =	simm.s32 $_size__tile_overlayer_lowered;
	s6 =	simm.s32 $_tile_overlayer_lowered  }
0xa1: {  	s22 =	simm.s32 $0x1BFF;
	s21 =	sshll.u32 s6, $0x1;
	s3 =	sadd.s32 s19, s18  }
0xa2: {  	s7 =	simm.s32 $0x0;
	s20 =	sshll.u32 s5, $0x1;
	s5 =	sadd.s32 s21, s3  }
0xa3: {  	[timem:s7], [sflag:s22] =	dma.local [hbm:s5], s20  }
0xa4: {  	_ =	swait.ge [sflag:s22], s20  }
0xa5: {  	s4 =	ssub.s32 $0x0, s20;
	[sflag:s22] =	ssyncset.done $0x0  }
0xa6: {  	[sflag:s22] =	ssyncadd.s32 s4;
	_ =	sdelay $0x1  }
0xa7: {  	s23 =	simm.s32 $0x1B8B  }
0xa8: {  	_ =	swait.ge [sflag:s23], $0x1  }
0xa9: {  	[sflag:s23] =	ssyncset.done $0x0  }
0xaa: {  	s25 =	simm.s32 $0x1B8E;
	s24 =	sld [smem:$0x3FFE];
	[sflag:s23] =	ssyncadd.s32 $0xFFFFFFFF  }
0xab: {  	s26 =	simm.s32 $execute0_lowered;
	[smem:$0x3FD2] =	sst s25  }
0xac: {  	s5 =	sshll.u32 s26, $0x1;
	_ =	strace $0x80000046;
	[dreg:$0x1] =	wrdreg $0xFFFFFFFF  }
0xad: {  	s28 =	simm.s32 $_size_execute0_lowered;
	s3 =	sadd.s32 s3, s5;
	[dreg:$0x0] =	wrdreg $0x0  }
0xae: {  	s5 =	sshll.u32 s28, $0x1;
	[dreg:$0x2] =	wrdreg s3  }
0xaf: {  	[dreg:$0x3] =	wrdreg s5  }
0xb0: {  	[dreg:$0x4] =	wrdreg $0xC0  }
0xb1: {  	_ =	task [dreg:s7], $0x5FFFF  }
0xb2: {  	[dreg:$0x1] =	wrdreg $0xFFFFFFFF  }
0xb3: {  	[dreg:$0x0] =	wrdreg $0x60  }
0xb4: {  	[dreg:$0x2] =	wrdreg s16  }
0xb5: {  	[dreg:$0x3] =	wrdreg s24  }
0xb6: {  	[dreg:$0x4] =	wrdreg $0x9  }
0xb7: {  	_ =	task.clear_ibuf [dreg:s7], $0x5FFFF;
	_ =	strace $0x90000046  }
0xb8: {  	s29 =	simm.s32 $0x9;
	_ =	strace $0x80000048  }
0xb9: {  	_ =	swait.ge [sflag:s29], $0x1  }
0xba: {  	[sflag:s29] =	ssyncadd.s32 $0xFFFFFFFF  }
0xbb: {  	_ =	strace $0x90000048  }
0xbc: {  	_ =	sfence  }
0xbd: {  	s30 =	sld [smem:$0x0];
	_ =	sdelay $0x2  }
0xbe: {  	s31 =	sshll.u32 s1, $0xD;
	s1 =	sshrl.u32 s1, $0x2  }
0xbf: {  	s3 =	sand.u32 $0x4000, s31;
	s1 =	sadd.s32 s1, s30  }
0xc0: {  	s0 =	sor.u32 s3, s0;
	s1 =	sshll.u32 s1, $0x11  }
0xc1: {  	s0 =	sor.u32 s1, s0  }
0xc2: {  	s0 =	sadd.s32 $0x8F2B, s0  }
0xc3: {  	[sflag:s0] =	ssyncadd.remote.s32 $0x1  }
0xc4: {  	_ =	sfence.sel $0xFFFF  }
0xc5: {  	[dreg:$0x0] =	wrdreg $0xFFFFFFFF;
	(pc) =	sbr.abs _section_cstart, $3  }
0xc6: {  	[dreg:$0x1] =	wrdreg $0xFFFFFFFF  }
0xc7: {  	_ =	task.clear_ibuf [dreg:s7], $0x2FFFF;
	_ =	strace $0x9FFFFFFF  }
0xc8: {  	(tm) =	ssettm $0x7FFFFFFF  }
0xc9: {  	_ =	shalt  }
tec
execute0_lowered:
.L_overlay_start_1:
0x0: {  	(tag) =	ssettag $0x1  }
0x1: {  	s3 =	rddreg [dreg:$0x0]  }
0x2: {  	s4 =	rddreg [dreg:$0x1]  }
0x3: {  	s0 =	rddreg [dreg:$0x2]  }
0x4: {  	s5 =	srdreg.scid;
	s2 =	simm.s32 $0x0;
	s1 =	stileid.u32  }
0x5: {  	s10 =	simm.s32 $0x0;
	s5 =	sand.u32 $0x1, s5;
	[smem:$0x7FF] =	sst s2  }
0x6: {  	s6 =	sshll.u32 s1, $0xA;
	s7 =	sshll.u32 s5, $0x9;
	s5 =	ssub.s32 $0x2, s5  }
0x7: {  	_ =	strace $0x80000047;
	s6 =	sor.u32 s7, s6;
	s31 =	sshrl.u32 s5, $0x1  }
0x8: {  	v0 =	vlaneseq.u32;
	s7 =	sshll.u32 s6, $0x3;
	s6 =	sshll.u32 s6, $0x1;
	s9 =	ssub.s32 s5, s31  }
0x9: {  	v4 =	vmul.u32 $0xFFFFFFFF, v0;
	s8 =	sadd.s32 s7, s4;
	s6 =	sadd.s32 s6, s4;
	s3 =	sadd.s32 s3, s7  }
0xa: {  	vm0 =	vmmov $0xff;
	v5 =	vimm.f32 $0.0e+00;
	v1 =	vor.u32 $0x10, v0;
	s7 =	simm.s32 $0x1;
	s4 =	sadd.s32 $0x1400, s8;
	s5 =	sadd.s32 $0x21400, s6  }
0xb: {  	v2 =	vor.u32 $0x20, v0;
	v3 =	vor.u32 $0x30, v0;
	v4 =	vadd.s32 $0xF, v4;
	s6 =	smax.u32 s9, $0x1;
	s8 =	simm.s32 $0x8000;
	s9 =	simm.s32 $0x10000  }
.LBB2_1:
0xc: {  	[tilespmem:s2], [sflag:$0x1] =	stream.linear.gather [hbm4b:s3+s2], $0x8000, $0x38;
	[tilespmem:$0x12000] =	vst v63  }
0xd: {  	_ =	swait.ge [sflag:s7], $0x8000  }
0xe: {  	[sflag:s7] =	ssyncset.done $0x0  }
0xf: {  	s11 =	simm.s32 $0x40;
	[sflag:s7] =	ssyncadd.s32 $0xFFFF8000  }
0x10: {  	v6 =	vld [tilespmem:s11+$0xFFFFFFF0]  }
0x11: {  	v7 =	vld [tilespmem:s11+$0xFFFFFFE0]  }
0x12: {  	v8 =	vld [tilespmem:s11+$0xFFFFFFD0];
	_ =	sdelay $0x1  }
0x13: {  	v9 =	vld [tilespmem:s11+$0xFFFFFFC0]  }
0x14: {  	(xrf1) =	vsort.dscd.msk.f32 $0xffff, v6, v3  }
0x15: {  	(xrf1) =	vsort.dscd.msk.f32 $0xffff, v7, v2  }
0x16: {  	(xrf1) =	vsort.dscd.msk.f32 $0xffff, v8, v1;
	_ =	sdelay $0x1  }
0x17: {  	(xrf1) =	vsort.dscd.msk.f32 $0xffff, v9, v0;
	_ =	sdelay $0x9  }
0x18: {  	v6, v7, _ =	vpop (xrf1)  }
0x19: {  	v6 =	vperm.xlane v6, v4;
	v8, v51, _ =	vpop (xrf1)  }
0x1a: {  	v7 =	vperm.xlane v7, v4;
	v10, v11, _ =	vpop (xrf1)  }
0x1b: {  	v10 =	vperm.xlane v10, v4;
	vm1 =	vge.f32 v8, v6  }
0x1c: {  	v11 =	vperm.xlane v11, v4;
	v6 =	vsel vm1, v8, v6;
	v7 =	vsel vm1, v51, v7;
	v8, v52, _ =	vpop (xrf1)  }
0x1d: {  	vm1 =	vge.f32 v8, v10;
	(xrf1) =	vsort.dscd.msk.f32 $0xffff, v6, v7  }
0x1e: {  	v6 =	vsel vm1, v8, v10;
	v7 =	vsel vm1, v52, v11  }
0x1f: {  	(xrf1) =	vsort.dscd.msk.f32 $0xffff, v6, v7;
	_ =	sdelay $0xb  }
0x20: {  	v6, v7, _ =	vpop (xrf1)  }
0x21: {  	v6 =	vperm.xlane v6, v4  }
0x22: {  	v7 =	vperm.xlane v7, v4;
	v8, v53, _ =	vpop (xrf1)  }
0x23: {  	vm1 =	vge.f32 v8, v6  }
0x24: {  	v6 =	vsel vm1, v8, v6;
	v7 =	vsel vm1, v53, v7  }
0x25: {  	(xrf1) =	vsort.dscd.msk.f32 $0xffff, v6, v7;
	_ =	sdelay $0xd  }
0x26: {  	v6, v7, _ =	vpop (xrf1)  }
0x27: {  	(xrf0) =	vmax.scan.msk.f32 $0xffff, v6;
	_ =	sdelay $0x5  }
0x28: {  	v8, _, _ =	vpop (xrf0)  }
0x29: {  	v8 =	vbroadcast v8, $0xF;
	_ =	sdelay $0x1  }
0x2a: {  	v6 =	vsub.f32 v6, v8;
	_ =	sdelay $0x1  }
0x2b: {  	v6 =	vmul.f32 $1.442695020e+00, v6;
	_ =	sdelay $0x1  }
0x2c: {  	(erf) = vpow2.f32 v6;
	_ =	sdelay $0x8  }
0x2d: {  	v6 =	vpop (erf)  }
0x2e: {  	v6 =	vnsel vm0, $0x0, v6  }
0x2f: {  	(xrf2) =	vadd.scan.msk.f32 $0xffff, v6;
	_ =	sdelay $0x9  }
0x30: {  	v8, _, _ =	vpop (xrf2)  }
0x31: {  	v8 =	vbroadcast v8, $0xF;
	_ =	sdelay $0x1  }
0x32: {  	(erf) = vrcp.f32 v8;
	_ =	sdelay $0x4  }
0x33: {  	s12 =	simm.s32 $0x0;
	v8 =	vand.u32 $0xFFFFFFF8, v7  }
0x34: {  	v54 =	vand.u32 $0x7, v7;
	v8 =	vadd.s32 s12, v8  }
0x35: {  	s12 =	simm.s32 $0x8040;
	v8 =	vor.u32 v54, v8  }
0x36: {  	[tilespmem:s12+$0xFFFFFFF0] =	vst v5  }
0x37: {  	[tilespmem:s12+$0xFFFFFFE0] =	vst v5;
	v55 =	vpop (erf)  }
0x38: {  	[tilespmem:s12+$0xFFFFFFD0] =	vst v5;
	v6 =	vmul.f32 v55, v6  }
0x39: {  	[tilespmem:s12+$0xFFFFFFC0] =	vst v5  }
0x3a: {  	s13 =	simm.s32 $0x10010;
	[tilespmem:v8+s8+$0x0] =	vst.idx.msk $0xff, v6  }
0x3b: {  	[tilespmem:s13+$0xFFFFFFF0] =	vst v7  }
0x3c: {  	v6 =	vld [tilespmem:s11+$0x30]  }
0x3d: {  	v7 =	vld [tilespmem:s11+$0x20]  }
0x3e: {  	v8 =	vld [tilespmem:s11+$0x10];
	_ =	sdelay $0x1  }
0x3f: {  	v56 =	vld [tilespmem:s11+$0x0]  }
0x40: {  	(xrf1) =	vsort.dscd.msk.f32 $0xffff, v6, v3  }
0x41: {  	(xrf1) =	vsort.dscd.msk.f32 $0xffff, v7, v2  }
0x42: {  	(xrf1) =	vsort.dscd.msk.f32 $0xffff, v8, v1;
	_ =	sdelay $0x1  }
0x43: {  	(xrf1) =	vsort.dscd.msk.f32 $0xffff, v56, v0;
	_ =	sdelay $0x9  }
0x44: {  	v6, v7, _ =	vpop (xrf1)  }
0x45: {  	v6 =	vperm.xlane v6, v4;
	v8, v57, _ =	vpop (xrf1)  }
0x46: {  	v7 =	vperm.xlane v7, v4;
	v58, v59, _ =	vpop (xrf1)  }
0x47: {  	v10 =	vperm.xlane v58, v4;
	vm1 =	vge.f32 v8, v6  }
0x48: {  	v11 =	vperm.xlane v59, v4;
	v6 =	vsel vm1, v8, v6;
	v7 =	vsel vm1, v57, v7;
	v8, v60, _ =	vpop (xrf1)  }
0x49: {  	vm1 =	vge.f32 v8, v10;
	(xrf1) =	vsort.dscd.msk.f32 $0xffff, v6, v7  }
0x4a: {  	v6 =	vsel vm1, v8, v10;
	v7 =	vsel vm1, v60, v11  }
0x4b: {  	(xrf1) =	vsort.dscd.msk.f32 $0xffff, v6, v7;
	_ =	sdelay $0xb  }
0x4c: {  	v6, v7, _ =	vpop (xrf1)  }
0x4d: {  	v6 =	vperm.xlane v6, v4  }
0x4e: {  	v7 =	vperm.xlane v7, v4;
	v8, v61, _ =	vpop (xrf1)  }
0x4f: {  	vm1 =	vge.f32 v8, v6  }
0x50: {  	v6 =	vsel vm1, v8, v6;
	v7 =	vsel vm1, v61, v7  }
0x51: {  	(xrf1) =	vsort.dscd.msk.f32 $0xffff, v6, v7;
	_ =	sdelay $0xd  }
0x52: {  	v7, v6, _ =	vpop (xrf1)  }
0x53: {  	(xrf0) =	vmax.scan.msk.f32 $0xffff, v7;
	_ =	sdelay $0x5  }
0x54: {  	v8, _, _ =	vpop (xrf0)  }
0x55: {  	v8 =	vbroadcast v8, $0xF;
	_ =	sdelay $0x1  }
0x56: {  	v7 =	vsub.f32 v7, v8;
	_ =	sdelay $0x1  }
0x57: {  	v7 =	vmul.f32 $1.442695020e+00, v7;
	_ =	sdelay $0x1  }
0x58: {  	(erf) = vpow2.f32 v7;
	_ =	sdelay $0x8  }
0x59: {  	v7 =	vpop (erf)  }
0x5a: {  	v7 =	vnsel vm0, $0x0, v7  }
0x5b: {  	(xrf2) =	vadd.scan.msk.f32 $0xffff, v7;
	_ =	sdelay $0x9  }
0x5c: {  	v8, _, _ =	vpop (xrf2)  }
0x5d: {  	v8 =	vbroadcast v8, $0xF;
	_ =	sdelay $0x1  }
0x5e: {  	(erf) = vrcp.f32 v8;
	_ =	sdelay $0x4  }
0x5f: {  	s14 =	simm.s32 $0x40;
	v8 =	vand.u32 $0xFFFFFFF8, v6  }
0x60: {  	v62 =	vand.u32 $0x7, v6;
	v8 =	vadd.s32 s14, v8  }
0x61: {  	v8 =	vor.u32 v62, v8  }
0x62: {  	[tilespmem:s12+$0x0] =	vst v5  }
0x63: {  	[tilespmem:s12+$0x10] =	vst v5;
	v63 =	vpop (erf)  }
0x64: {  	[tilespmem:s12+$0x20] =	vst v5;
	v7 =	vmul.f32 v63, v7  }
0x65: {  	[tilespmem:s12+$0x30] =	vst v5  }
0x66: {  	s14 =	simm.s32 $0x2;
	[tilespmem:v8+s8+$0x0] =	vst.idx.msk $0xff, v7  }
.LBB2_2:
0x67: {  	[tilespmem:s13+$0x0] =	vst v6;
	s13 =	sadd.s32 $0x20, s13;
	s11 =	sadd.s32 $0x80, s11;
	s12 =	sadd.s32 $0x80, s12  }
0x68: {  	p0 =	sne.s32 s14, $0x1FE;
	s15 =	smov.u32 s14;
	s14 =	sadd.s32 $0x2, s14;
	v6 =	vld [tilespmem:s11+$0xFFFFFFF0]  }
0x69: {  	v7 =	vld [tilespmem:s11+$0xFFFFFFE0]  }
0x6a: {  	v8 =	vld [tilespmem:s11+$0xFFFFFFD0];
	_ =	sdelay $0x1  }
0x6b: {  	v9 =	vld [tilespmem:s11+$0xFFFFFFC0]  }
0x6c: {  	(xrf1) =	vsort.dscd.msk.f32 $0xffff, v6, v3  }
0x6d: {  	(xrf1) =	vsort.dscd.msk.f32 $0xffff, v7, v2  }
0x6e: {  	(xrf1) =	vsort.dscd.msk.f32 $0xffff, v8, v1;
	_ =	sdelay $0x1  }
0x6f: {  	(xrf1) =	vsort.dscd.msk.f32 $0xffff, v9, v0;
	_ =	sdelay $0x9  }
0x70: {  	v6, v7, _ =	vpop (xrf1)  }
0x71: {  	v6 =	vperm.xlane v6, v4;
	v8, v9, _ =	vpop (xrf1)  }
0x72: {  	v7 =	vperm.xlane v7, v4;
	v10, v11, _ =	vpop (xrf1)  }
0x73: {  	v10 =	vperm.xlane v10, v4;
	vm1 =	vge.f32 v8, v6  }
0x74: {  	v11 =	vperm.xlane v11, v4;
	v6 =	vsel vm1, v8, v6;
	v7 =	vsel vm1, v9, v7;
	v8, v9, _ =	vpop (xrf1)  }
0x75: {  	vm1 =	vge.f32 v8, v10;
	(xrf1) =	vsort.dscd.msk.f32 $0xffff, v6, v7  }
0x76: {  	v6 =	vsel vm1, v8, v10;
	v7 =	vsel vm1, v9, v11  }
0x77: {  	(xrf1) =	vsort.dscd.msk.f32 $0xffff, v6, v7;
	_ =	sdelay $0xb  }
0x78: {  	v6, v7, _ =	vpop (xrf1)  }
0x79: {  	v6 =	vperm.xlane v6, v4  }
0x7a: {  	v7 =	vperm.xlane v7, v4;
	v8, v9, _ =	vpop (xrf1)  }
0x7b: {  	vm1 =	vge.f32 v8, v6  }
0x7c: {  	v6 =	vsel vm1, v8, v6;
	v7 =	vsel vm1, v9, v7  }
0x7d: {  	(xrf1) =	vsort.dscd.msk.f32 $0xffff, v6, v7;
	_ =	sdelay $0xd  }
0x7e: {  	v6, v7, _ =	vpop (xrf1)  }
0x7f: {  	s15 =	sshll.u32 s15, $0x6;
	v8 =	vand.u32 $0xFFFFFFF8, v7;
	(xrf0) =	vmax.scan.msk.f32 $0xffff, v6  }
0x80: {  	v8 =	vadd.s32 s15, v8;
	_ =	sdelay $0x4  }
0x81: {  	v9, _, _ =	vpop (xrf0)  }
0x82: {  	v9 =	vbroadcast v9, $0xF;
	_ =	sdelay $0x1  }
0x83: {  	v6 =	vsub.f32 v6, v9;
	_ =	sdelay $0x1  }
0x84: {  	v6 =	vmul.f32 $1.442695020e+00, v6;
	_ =	sdelay $0x1  }
0x85: {  	(erf) = vpow2.f32 v6;
	_ =	sdelay $0x8  }
0x86: {  	v6 =	vpop (erf)  }
0x87: {  	v6 =	vnsel vm0, $0x0, v6  }
0x88: {  	(xrf2) =	vadd.scan.msk.f32 $0xffff, v6;
	_ =	sdelay $0x9  }
0x89: {  	v9, _, _ =	vpop (xrf2)  }
0x8a: {  	v9 =	vbroadcast v9, $0xF;
	_ =	sdelay $0x1  }
0x8b: {  	(erf) = vrcp.f32 v9;
	_ =	sdelay $0x5  }
0x8c: {  	v9 =	vand.u32 $0x7, v7  }
0x8d: {  	v8 =	vor.u32 v9, v8  }
0x8e: {  	[tilespmem:s12+$0xFFFFFFF0] =	vst v5  }
0x8f: {  	[tilespmem:s12+$0xFFFFFFE0] =	vst v5;
	v9 =	vpop (erf)  }
0x90: {  	v6 =	vmul.f32 v9, v6;
	[tilespmem:s12+$0xFFFFFFD0] =	vst v5  }
0x91: {  	[tilespmem:s12+$0xFFFFFFC0] =	vst v5  }
0x92: {  	[tilespmem:v8+s8+$0x0] =	vst.idx.msk $0xff, v6  }
0x93: {  	[tilespmem:s13+$0xFFFFFFF0] =	vst v7  }
0x94: {  	v6 =	vld [tilespmem:s11+$0x30]  }
0x95: {  	v7 =	vld [tilespmem:s11+$0x20]  }
0x96: {  	v8 =	vld [tilespmem:s11+$0x10];
	_ =	sdelay $0x1  }
0x97: {  	v9 =	vld [tilespmem:s11+$0x0]  }
0x98: {  	[tilespmem:s12+$0x0] =	vst v5;
	(xrf1) =	vsort.dscd.msk.f32 $0xffff, v6, v3  }
0x99: {  	[tilespmem:s12+$0x10] =	vst v5;
	(xrf1) =	vsort.dscd.msk.f32 $0xffff, v7, v2  }
0x9a: {  	[tilespmem:s12+$0x20] =	vst v5;
	(xrf1) =	vsort.dscd.msk.f32 $0xffff, v8, v1  }
0x9b: {  	[tilespmem:s12+$0x30] =	vst v5  }
0x9c: {  	(xrf1) =	vsort.dscd.msk.f32 $0xffff, v9, v0;
	_ =	sdelay $0x9  }
0x9d: {  	v6, v7, _ =	vpop (xrf1)  }
0x9e: {  	v6 =	vperm.xlane v6, v4;
	v8, v9, _ =	vpop (xrf1)  }
0x9f: {  	v7 =	vperm.xlane v7, v4;
	v10, v11, _ =	vpop (xrf1)  }
0xa0: {  	v10 =	vperm.xlane v10, v4;
	vm1 =	vge.f32 v8, v6  }
0xa1: {  	v11 =	vperm.xlane v11, v4;
	v6 =	vsel vm1, v8, v6;
	v7 =	vsel vm1, v9, v7;
	v8, v9, _ =	vpop (xrf1)  }
0xa2: {  	vm1 =	vge.f32 v8, v10;
	(xrf1) =	vsort.dscd.msk.f32 $0xffff, v6, v7  }
0xa3: {  	v6 =	vsel vm1, v8, v10;
	v7 =	vsel vm1, v9, v11  }
0xa4: {  	(xrf1) =	vsort.dscd.msk.f32 $0xffff, v6, v7;
	_ =	sdelay $0xb  }
0xa5: {  	v6, v7, _ =	vpop (xrf1)  }
0xa6: {  	v6 =	vperm.xlane v6, v4  }
0xa7: {  	v7 =	vperm.xlane v7, v4;
	v8, v9, _ =	vpop (xrf1)  }
0xa8: {  	vm1 =	vge.f32 v8, v6  }
0xa9: {  	v6 =	vsel vm1, v8, v6;
	v7 =	vsel vm1, v9, v7  }
0xaa: {  	(xrf1) =	vsort.dscd.msk.f32 $0xffff, v6, v7;
	_ =	sdelay $0xd  }
0xab: {  	v7, v6, _ =	vpop (xrf1)  }
0xac: {  	s15 =	sadd.s32 $0x40, s15;
	v8 =	vand.u32 $0xFFFFFFF8, v6;
	(xrf0) =	vmax.scan.msk.f32 $0xffff, v7  }
0xad: {  	v8 =	vadd.s32 s15, v8;
	_ =	sdelay $0x4  }
0xae: {  	v9, _, _ =	vpop (xrf0)  }
0xaf: {  	v9 =	vbroadcast v9, $0xF;
	_ =	sdelay $0x1  }
0xb0: {  	v7 =	vsub.f32 v7, v9;
	_ =	sdelay $0x1  }
0xb1: {  	v7 =	vmul.f32 $1.442695020e+00, v7;
	_ =	sdelay $0x1  }
0xb2: {  	(erf) = vpow2.f32 v7;
	_ =	sdelay $0x8  }
0xb3: {  	v7 =	vpop (erf)  }
0xb4: {  	v7 =	vnsel vm0, $0x0, v7  }
0xb5: {  	(xrf2) =	vadd.scan.msk.f32 $0xffff, v7;
	_ =	sdelay $0x9  }
0xb6: {  	v9, _, _ =	vpop (xrf2)  }
0xb7: {  	v9 =	vbroadcast v9, $0xF;
	_ =	sdelay $0x1  }
0xb8: {  	(erf) = vrcp.f32 v9;
	_ =	sdelay $0x5  }
0xb9: {  	v9 =	vand.u32 $0x7, v6  }
0xba: {  	v8 =	vor.u32 v9, v8  }
.Ltmp0:
0xbb: {  	(pc) =	sbr.rel @p0 .LBB2_2-.Ltmp0, $3  }
0xbc: {  	v9 =	vpop (erf)  }
0xbd: {  	v7 =	vmul.f32 v9, v7;
	_ =	sdelay $0x1  }
0xbe: {  	[tilespmem:v8+s8+$0x0] =	vst.idx.msk $0xff, v7  }
0xbf: {  	[tilespmem:s13+$0x0] =	vst v6  }
0xc0: {  	[hbm4b:s4+s2] =	stream.linear.scatter [tilespmem:s8], [sflag:$0x1], $0x8000, $0x38;
	[tilespmem:$0x12000] =	vst v63  }
0xc1: {  	s10 =	sadd.s32 $0x1, s10;
	_ =	swait.ge [sflag:s7], $0x8000  }
0xc2: {  	p0 =	sne.s32 s10, s6;
	[sflag:s7] =	ssyncset.done $0x0  }
.Ltmp1:
0xc3: {  	[sflag:s7] =	ssyncadd.s32 $0xFFFF8000;
	(pc) =	sbr.rel @p0 .LBB2_1-.Ltmp1, $4  }
0xc4: {  	[hbm4b:s5+s2] =	stream.linear.scatter [tilespmem:s9], [sflag:$0x1], $0x2000, $0x38;
	[tilespmem:$0x12000] =	vst v63  }
0xc5: {  	_ =	swait.ge [sflag:s7], $0x2000  }
0xc6: {  	[sflag:s7] =	ssyncset.done $0x0  }
0xc7: {  	[sflag:s7] =	ssyncadd.s32 $0xFFFFE000  }
0xc8: {  	_ =	sfence.sel $0x180000  }
0xc9: {  	[bflag:$0x0] =	sbarrier.arrive $0xFFFF  }
0xca: {  	p0 =	sne.s32 s1, $0x0;
	_ =	strace $0x90000047  }
0xcb: {  	s0 =	sadd.s32 @!p0 $0x100000, s0;
	[bflag:$0x2] =	sbarrier.arrive $0xFFFF  }
0xcc: {  	[sflag:s0] =	ssyncadd.tile.s32 @!p0 $0x1;
	_ =	shalt  }
.Lfunc_end2:
_tile_overlayer_lowered:
.L_overlay_start_2:
0xcd: {  	(tag) =	ssettag $0x2  }
0xce: {  	s0 =	rddreg [dreg:$0x0];
	s2 =	stileid.u32  }
0xcf: {  	s1 =	rddreg [dreg:$0x1];
	p0 =	sne.s32 s2, $0x0  }
0xd0: {  	s3 =	rddreg [dreg:$0x2];
	[bflag:$0x3] =	sbarrier.arrive $0xFFFF;
	s2 =	simm.s32 @!p0 $0x1C01  }
0xd1: {  	[timem:s3], [sflag:s2] =	dma.local @!p0 [hbm:s0], s1  }
0xd2: {  	s0 =	simm.s32 @!p0 $0x1  }
0xd3: {  	_ =	swait.ge @!p0 [sflag:s0], s1  }
0xd4: {  	s1 =	ssub.s32 @!p0 $0x0, s1;
	[sflag:s0] =	ssyncset.done @!p0 $0x0  }
0xd5: {  	[sflag:s0] =	ssyncadd.s32 @!p0 s1  }
0xd6: {  	[bflag:$0x3] =	sbarrier.arrive $0xFFFF  }
0xd7: {  	_ =	shalt  }

</sc_bundles>
